<compile_context>
chip_gen: v7x
topology: tpu7x:2x2x1
jax: 0.10.2.dev20260603
libtpu: 0.0.44.dev20260713+nightly
codegen_flags: <defaults>
</compile_context>

<pallas_src>
import functools

import jax
import jax.numpy as jnp
from jax import lax
from jax.experimental import pallas as pl
from jax.experimental.pallas import tpu as pltpu
from jax.experimental.pallas import tpu_sc as plsc

VOCAB = 1000000
B = 16384
L = 50
D = 32
C = 16

NC = 2
NS = 16
NW = NC * NS
RPW = B // NW
CHUNK = 128
NCH = RPW // CHUNK

TB = 2048
NTB = B // TB


def _tc_transpose(idx):

    def body(x_ref, o_ref):
        o_ref[...] = x_ref[...].T.reshape(L, 1, TB // 128, 128)

    return pl.pallas_call(
        body,
        grid=(NTB,),
        in_specs=[pl.BlockSpec((TB, L), lambda i: (i, 0))],
        out_specs=pl.BlockSpec((L, 1, TB // 128, 128), lambda i: (0, i, 0, 0)),
        out_shape=jax.ShapeDtypeStruct((L, NTB, TB // 128, 128), jnp.int32),
    )(idx)


def _sc_bag_sum(idx4, table):
    mesh = plsc.VectorSubcoreMesh(
        core_axis_name="c", subcore_axis_name="s", num_cores=NC, num_subcores=NS
    )

    RB = RPW // 128

    @functools.partial(
        pl.kernel,
        mesh=mesh,
        out_type=jax.ShapeDtypeStruct((B, D), jnp.float32),
        scratch_types=[
            pltpu.VMEM((L, RB, 128), jnp.int32),
            pltpu.VMEM((RPW, D), jnp.float32),
            pltpu.SemaphoreType.DMA,
        ],
        compiler_params=pltpu.CompilerParams(use_tc_tiling_on_sc=False),
    )
    def k(idx_hbm, tbl_hbm, out_hbm, idx_v, acc_v, sem):
        wid = lax.axis_index("s") * NC + lax.axis_index("c")
        base = wid * RPW
        tb = base // TB
        r0 = (base % TB) // 128
        pltpu.sync_copy(idx_hbm.at[:, tb, pl.ds(r0, RB)], idx_v)

        zero = jnp.zeros((D,), jnp.float32)

        def zero_row(r, _):
            acc_v[r] = zero
            return 0

        lax.fori_loop(0, RPW, zero_row, 0)

        for c in range(NCH):
            dst = acc_v.at[pl.ds(c * CHUNK, CHUNK)]

            def fire(j, _):
                pltpu.async_copy(
                    tbl_hbm.at[idx_v.at[j, c]], dst, sem, add=True
                )
                return 0

            lax.fori_loop(0, L, fire, 0)

        drain = pltpu.make_async_copy(
            tbl_hbm.at[pl.ds(0, CHUNK)], acc_v.at[pl.ds(0, CHUNK)], sem
        )

        def drain_one(i, _):
            drain.wait()
            return 0

        lax.fori_loop(0, NCH * L, drain_one, 0)
        pltpu.sync_copy(acc_v, out_hbm.at[pl.ds(base, RPW)])

    return k(idx4, table)


def _tc_linear(x, w_t, bias):
    BB = 4096

    def body(x_ref, w_ref, b_ref, o_ref):
        o_ref[...] = (
            jnp.dot(x_ref[...], w_ref[...], preferred_element_type=jnp.float32)
            + b_ref[...]
        )

    return pl.pallas_call(
        body,
        grid=(B // BB,),
        in_specs=[
            pl.BlockSpec((BB, D), lambda i: (i, 0)),
            pl.BlockSpec((D, C), lambda i: (0, 0)),
            pl.BlockSpec((1, C), lambda i: (0, 0)),
        ],
        out_specs=pl.BlockSpec((BB, C), lambda i: (i, 0)),
        out_shape=jax.ShapeDtypeStruct((B, C), jnp.float32),
    )(x, w_t, bias)


def kernel(text, emb_weight, fc_weight, fc_bias):
    idx4 = _tc_transpose(text.astype(jnp.int32))
    sums = _sc_bag_sum(idx4, emb_weight)
    w_t = jnp.swapaxes(fc_weight, 0, 1) * (1.0 / L)
    return _tc_linear(sums, w_t, fc_bias.reshape(1, C))

# --- scband reference (transcript-rebuilt; emitter-appended) ---
"""Pipeline reference for scband-text-classification-model-4492535791984 (READ-ONLY COPY).

The authoritative reference and input builder live on the scoring server;
editing this copy changes nothing except your own understanding.
"""

import jax, jax.numpy as jnp
import numpy as np

VOCAB = 1000000
EMBED_DIM = 32
NUM_CLASS = 16
BATCH = 16384
HIST = 50


def setup_inputs(seed: int = 0) -> dict:
    key = jax.random.key(seed)
    k1, k2, k3 = jax.random.split(key, 3)
    text = jax.random.randint(k1, (BATCH, HIST), 0, VOCAB, dtype=jnp.int64)
    initrange = 0.5
    emb_weight = jax.random.uniform(k2, (VOCAB, EMBED_DIM), dtype=jnp.float32, minval=-initrange, maxval=initrange)
    fc_weight = jax.random.uniform(k3, (NUM_CLASS, EMBED_DIM), dtype=jnp.float32, minval=-initrange, maxval=initrange)
    fc_bias = jnp.zeros((NUM_CLASS,), dtype=jnp.float32)
    return {"text": text, "emb_weight": emb_weight, "fc_weight": fc_weight, "fc_bias": fc_bias}


def reference(text, emb_weight, fc_weight, fc_bias):
    # nn.EmbeddingBag default mode='mean': gather then mean over bag dim
    gathered = jnp.take(emb_weight, text, axis=0)  # [B, L, D]
    embedded = jnp.mean(gathered, axis=1)          # [B, D]
    # nn.Linear: x @ W.T + b
    return embedded @ fc_weight.T + fc_bias

if __name__ == "__main__":
    import jax
    _d = setup_inputs()
    print(jax.jit(kernel)(*tuple(_d.values())))

</pallas_src>

<mosaic_0001>
#map = affine_map<(d0, d1) -> (0, 0, 0, 0)>
#map1 = affine_map<(d0, d1) -> (0, 0)>
module attributes {stable_mosaic.version = 14 : i64} {
  func.func @k(%arg0: i32, %arg1: i32, %arg2: memref<50x8x16x128xi32, #tpu.memory_space<hbm>>, %arg3: memref<1000000x32xf32, #tpu.memory_space<hbm>>, %arg4: memref<16384x32xf32, #tpu.memory_space<hbm>>, %arg5: memref<50x4x128xi32, #tpu.memory_space<vmem>>, %arg6: memref<512x32xf32, #tpu.memory_space<vmem>>, %arg7: memref<!tpu.dma_semaphore, #tpu.memory_space<semaphore_mem>>) attributes {dimension_semantics = [#tpu.dimension_semantics<core_parallel>, #tpu.dimension_semantics<subcore_parallel>], iteration_bounds = array<i64: 2, 16>, scalar_prefetch = 0 : i64, scratch_operands = 3 : i64, tpu.core_type = #tpu.core_type<sc_vector_subcore>, window_params = [{transform_indices = #map}, {transform_indices = #map1}, {transform_indices = #map1}]} {
    %mul3A = arith.constant 2 : i32
    %mul3A_0 = arith.muli %arg1, %mul3A : i32
    %add3A = arith.addi %mul3A_0, %arg0 : i32
    %mul3A_1 = arith.constant 512 : i32
    %mul3A_2 = arith.muli %add3A, %mul3A_1 : i32
    %jit3A = arith.constant 2048 : i32
    %div3A = arith.divsi %mul3A_2, %jit3A : i32
    %sign3A = arith.constant 0 : i32
    %sign3A_3 = arith.cmpi sgt, %mul3A_2, %sign3A : i32
    %sign3A_4 = arith.extui %sign3A_3 : i1 to i32
    %sign3A_5 = arith.constant 0 : i32
    %sign3A_6 = arith.cmpi slt, %mul3A_2, %sign3A_5 : i32
    %sign3A_7 = arith.extui %sign3A_6 : i1 to i32
    %sign3A_8 = arith.subi %sign3A_4, %sign3A_7 : i32
    %sign3A_9 = arith.constant 0 : i32
    %sign3A_10 = arith.cmpi sgt, %jit3A, %sign3A_9 : i32
    %sign3A_11 = arith.extui %sign3A_10 : i1 to i32
    %sign3A_12 = arith.constant 0 : i32
    %sign3A_13 = arith.cmpi slt, %jit3A, %sign3A_12 : i32
    %sign3A_14 = arith.extui %sign3A_13 : i1 to i32
    %sign3A_15 = arith.subi %sign3A_11, %sign3A_14 : i32
    %ne3A = arith.cmpi ne, %sign3A_8, %sign3A_15 : i32
    %rem3A = arith.remsi %mul3A_2, %jit3A : i32
    %ne3A_16 = arith.constant 0 : i32
    %ne3A_17 = arith.cmpi ne, %rem3A, %ne3A_16 : i32
    %and3A = arith.andi %ne3A, %ne3A_17 : i1
    %sub3A = arith.constant 1 : i32
    %sub3A_18 = arith.subi %div3A, %sub3A : i32
    %select_n3A = arith.select %and3A, %sub3A_18, %div3A : i32
    %jit3A_19 = arith.constant 2048 : i32
    %eq3A = arith.constant 0 : i32
    %eq3A_20 = arith.cmpi eq, %jit3A_19, %eq3A : i32
    %jit3A_21 = arith.constant 1 : i32
    %select_n3A_22 = arith.select %eq3A_20, %jit3A_21, %jit3A_19 : i32
    %rem3A_23 = arith.remsi %mul3A_2, %select_n3A_22 : i32
    %ne3A_24 = arith.constant 0 : i32
    %ne3A_25 = arith.cmpi ne, %rem3A_23, %ne3A_24 : i32
    %lt3A = arith.constant 0 : i32
    %lt3A_26 = arith.cmpi slt, %rem3A_23, %lt3A : i32
    %lt3A_27 = arith.constant 0 : i32
    %lt3A_28 = arith.cmpi slt, %select_n3A_22, %lt3A_27 : i32
    %ne3A_29 = arith.xori %lt3A_26, %lt3A_28 : i1
    %and3A_30 = arith.andi %ne3A_29, %ne3A_25 : i1
    %add3A_31 = arith.addi %rem3A_23, %select_n3A_22 : i32
    %select_n3A_32 = arith.select %and3A_30, %add3A_31, %rem3A_23 : i32
    %jit3A_33 = arith.constant 128 : i32
    %div3A_34 = arith.divsi %select_n3A_32, %jit3A_33 : i32
    %sign3A_35 = arith.constant 0 : i32
    %sign3A_36 = arith.cmpi sgt, %select_n3A_32, %sign3A_35 : i32
    %sign3A_37 = arith.extui %sign3A_36 : i1 to i32
    %sign3A_38 = arith.constant 0 : i32
    %sign3A_39 = arith.cmpi slt, %select_n3A_32, %sign3A_38 : i32
    %sign3A_40 = arith.extui %sign3A_39 : i1 to i32
    %sign3A_41 = arith.subi %sign3A_37, %sign3A_40 : i32
    %sign3A_42 = arith.constant 0 : i32
    %sign3A_43 = arith.cmpi sgt, %jit3A_33, %sign3A_42 : i32
    %sign3A_44 = arith.extui %sign3A_43 : i1 to i32
    %sign3A_45 = arith.constant 0 : i32
    %sign3A_46 = arith.cmpi slt, %jit3A_33, %sign3A_45 : i32
    %sign3A_47 = arith.extui %sign3A_46 : i1 to i32
    %sign3A_48 = arith.subi %sign3A_44, %sign3A_47 : i32
    %ne3A_49 = arith.cmpi ne, %sign3A_41, %sign3A_48 : i32
    %rem3A_50 = arith.remsi %select_n3A_32, %jit3A_33 : i32
    %ne3A_51 = arith.constant 0 : i32
    %ne3A_52 = arith.cmpi ne, %rem3A_50, %ne3A_51 : i32
    %and3A_53 = arith.andi %ne3A_49, %ne3A_52 : i1
    %sub3A_54 = arith.constant 1 : i32
    %sub3A_55 = arith.subi %div3A_34, %sub3A_54 : i32
    %select_n3A_56 = arith.select %and3A_53, %sub3A_55, %div3A_34 : i32
    "tpu.region"() ({
      %run_scoped3A = tpu.sem_alloc : memref<!tpu.dma_semaphore, #tpu.memory_space<semaphore_mem>>
      %dma_start3A = arith.constant 0 : i32
      %dma_start3A_99 = arith.constant 0 : i32
      %dma_start3A_100 = tpu.memref_slice %arg2[%dma_start3A, %select_n3A, %select_n3A_56, %dma_start3A_99] : memref<50x8x16x128xi32, #tpu.memory_space<hbm>> -> memref<50x1x4x128xi32, #tpu.memory_space<hbm>>
      %dma_start3A_101 = tpu.memref_squeeze %dma_start3A_100 : memref<50x1x4x128xi32, #tpu.memory_space<hbm>> -> memref<50x4x128xi32, #tpu.memory_space<hbm>>
      %dma_start3A_102 = arith.constant 0 : i32
      %dma_start3A_103 = arith.constant 0 : i32
      %dma_start3A_104 = tpu.memref_slice %arg2[%dma_start3A_102, %select_n3A, %select_n3A_56, %dma_start3A_103] : memref<50x8x16x128xi32, #tpu.memory_space<hbm>> -> memref<50x1x4x128xi32, #tpu.memory_space<hbm>>
      %dma_start3A_105 = tpu.memref_squeeze %dma_start3A_104 : memref<50x1x4x128xi32, #tpu.memory_space<hbm>> -> memref<50x4x128xi32, #tpu.memory_space<hbm>>
      tpu.enqueue_dma source(%dma_start3A_105 : memref<50x4x128xi32, #tpu.memory_space<hbm>>) target(%arg5 : memref<50x4x128xi32, #tpu.memory_space<vmem>>) target_semaphore(%run_scoped3A : memref<!tpu.dma_semaphore, #tpu.memory_space<semaphore_mem>>)
      %dma_wait3A = arith.constant 0 : i32
      %dma_wait3A_106 = arith.constant 0 : i32
      %dma_wait3A_107 = tpu.memref_slice %arg2[%dma_wait3A, %select_n3A, %select_n3A_56, %dma_wait3A_106] : memref<50x8x16x128xi32, #tpu.memory_space<hbm>> -> memref<50x1x4x128xi32, #tpu.memory_space<hbm>>
      %dma_wait3A_108 = tpu.memref_squeeze %dma_wait3A_107 : memref<50x1x4x128xi32, #tpu.memory_space<hbm>> -> memref<50x4x128xi32, #tpu.memory_space<hbm>>
      %dma_wait3A_109 = arith.constant 0 : i32
      %dma_wait3A_110 = arith.constant 0 : i32
      %dma_wait3A_111 = tpu.memref_slice %arg2[%dma_wait3A_109, %select_n3A, %select_n3A_56, %dma_wait3A_110] : memref<50x8x16x128xi32, #tpu.memory_space<hbm>> -> memref<50x1x4x128xi32, #tpu.memory_space<hbm>>
      %dma_wait3A_112 = tpu.memref_squeeze %dma_wait3A_111 : memref<50x1x4x128xi32, #tpu.memory_space<hbm>> -> memref<50x4x128xi32, #tpu.memory_space<hbm>>
      tpu.wait_dma2 semaphore(%run_scoped3A : memref<!tpu.dma_semaphore, #tpu.memory_space<semaphore_mem>>) src(%dma_wait3A_112 : memref<50x4x128xi32, #tpu.memory_space<hbm>>) dst(%arg5 : memref<50x4x128xi32, #tpu.memory_space<vmem>>)
      tpu.yield
    }) : () -> ()
    %broadcast_in_dim3A = arith.constant 0.000000e+00 : f32
    %broadcast_in_dim3A_57 = vector.broadcast %broadcast_in_dim3A : f32 to vector<32xf32>
    %scan3A = arith.constant 0 : i32
    %scan3A_58 = arith.constant 0 : i32
    %scan3A_59 = arith.constant 512 : i32
    %scan3A_60 = arith.addi %scan3A_58, %scan3A_59 : i32
    %scan3A_61 = arith.constant 1 : i32
    %scan3A_62 = scf.for %scan3A_99 = %scan3A_58 to %scan3A_60 step %scan3A_61 iter_args(%scan3A_100 = %scan3A) -> (i32)  : i32 {
      %swap3A = arith.index_cast %scan3A_99 : i32 to index
      %swap3A_101 = arith.constant 0 : index
      %swap3A_102 = tpu.vector_load %arg6[%swap3A, %swap3A_101] {strides = array<i32>} : memref<512x32xf32, #tpu.memory_space<vmem>>, vector<1x32xf32>,
      %swap3A_103 = vector.shape_cast %swap3A_102 : vector<1x32xf32> to vector<32xf32>
      %swap3A_104 = vector.shape_cast %broadcast_in_dim3A_57 : vector<32xf32> to vector<1x32xf32>
      tpu.vector_store %arg6[%swap3A, %swap3A_101], %swap3A_104 {strides = array<i32>} : memref<512x32xf32, #tpu.memory_space<vmem>>, vector<1x32xf32>,
      %scan3A_105 = arith.constant 0 : i32
      scf.yield %scan3A_105 : i32
    }
    %scan3A_63 = arith.constant 512 : i32
    %scan3A_64 = arith.constant 0 : i32
    %scan3A_65 = arith.constant 0 : i32
    %scan3A_66 = arith.constant 50 : i32
    %scan3A_67 = arith.addi %scan3A_65, %scan3A_66 : i32
    %scan3A_68 = arith.constant 1 : i32
    %scan3A_69 = scf.for %scan3A_99 = %scan3A_65 to %scan3A_67 step %scan3A_68 iter_args(%scan3A_100 = %scan3A_64) -> (i32)  : i32 {
      %dma_start3A = arith.constant 0 : i32
      %dma_start3A_101 = arith.constant 0 : i32
      %dma_start3A_102 = arith.constant 0 : i32
      %dma_start3A_103 = tpu.memref_slice %arg6[%dma_start3A_101, %dma_start3A_102] : memref<512x32xf32, #tpu.memory_space<vmem>> -> memref<128x32xf32, #tpu.memory_space<vmem>>
      %dma_start3A_104 = arith.constant 0 : i32
      %dma_start3A_105 = tpu.memref_slice %arg5[%scan3A_99, %dma_start3A, %dma_start3A_104] : memref<50x4x128xi32, #tpu.memory_space<vmem>> -> memref<1x1x128xi32, #tpu.memory_space<vmem>>
      %dma_start3A_106 = tpu.memref_squeeze %dma_start3A_105 : memref<1x1x128xi32, #tpu.memory_space<vmem>> -> memref<128xi32, #tpu.memory_space<vmem>>
      %dma_start3A_107 = arith.constant 0 : i32
      %dma_start3A_108 = arith.constant 0 : i32
      %dma_start3A_109 = tpu.memref_slice %arg3[%dma_start3A_107, %dma_start3A_108] : memref<1000000x32xf32, #tpu.memory_space<hbm>> -> memref<1000000x32xf32, #tpu.memory_space<hbm>>
      tpu.enqueue_indirect_dma source(%dma_start3A_109 : memref<1000000x32xf32, #tpu.memory_space<hbm>>) target(%dma_start3A_103 : memref<128x32xf32, #tpu.memory_space<vmem>>) offsets(%dma_start3A_106 : memref<128xi32, #tpu.memory_space<vmem>>) semaphore(%arg7 : memref<!tpu.dma_semaphore, #tpu.memory_space<semaphore_mem>>) {add = true}
      %scan3A_110 = arith.constant 0 : i32
      scf.yield %scan3A_110 : i32
    }
    %scan3A_70 = arith.constant 50 : i32
    %scan3A_71 = arith.constant 0 : i32
    %scan3A_72 = arith.constant 0 : i32
    %scan3A_73 = arith.constant 50 : i32
    %scan3A_74 = arith.addi %scan3A_72, %scan3A_73 : i32
    %scan3A_75 = arith.constant 1 : i32
    %scan3A_76 = scf.for %scan3A_99 = %scan3A_72 to %scan3A_74 step %scan3A_75 iter_args(%scan3A_100 = %scan3A_71) -> (i32)  : i32 {
      %dma_start3A = arith.constant 1 : i32
      %dma_start3A_101 = arith.constant 128 : i32
      %dma_start3A_102 = arith.constant 0 : i32
      %dma_start3A_103 = tpu.memref_slice %arg6[%dma_start3A_101, %dma_start3A_102] : memref<512x32xf32, #tpu.memory_space<vmem>> -> memref<128x32xf32, #tpu.memory_space<vmem>>
      %dma_start3A_104 = arith.constant 0 : i32
      %dma_start3A_105 = tpu.memref_slice %arg5[%scan3A_99, %dma_start3A, %dma_start3A_104] : memref<50x4x128xi32, #tpu.memory_space<vmem>> -> memref<1x1x128xi32, #tpu.memory_space<vmem>>
      %dma_start3A_106 = tpu.memref_squeeze %dma_start3A_105 : memref<1x1x128xi32, #tpu.memory_space<vmem>> -> memref<128xi32, #tpu.memory_space<vmem>>
      %dma_start3A_107 = arith.constant 0 : i32
      %dma_start3A_108 = arith.constant 0 : i32
      %dma_start3A_109 = tpu.memref_slice %arg3[%dma_start3A_107, %dma_start3A_108] : memref<1000000x32xf32, #tpu.memory_space<hbm>> -> memref<1000000x32xf32, #tpu.memory_space<hbm>>
      tpu.enqueue_indirect_dma source(%dma_start3A_109 : memref<1000000x32xf32, #tpu.memory_space<hbm>>) target(%dma_start3A_103 : memref<128x32xf32, #tpu.memory_space<vmem>>) offsets(%dma_start3A_106 : memref<128xi32, #tpu.memory_space<vmem>>) semaphore(%arg7 : memref<!tpu.dma_semaphore, #tpu.memory_space<semaphore_mem>>) {add = true}
      %scan3A_110 = arith.constant 0 : i32
      scf.yield %scan3A_110 : i32
    }
    %scan3A_77 = arith.constant 50 : i32
    %scan3A_78 = arith.constant 0 : i32
    %scan3A_79 = arith.constant 0 : i32
    %scan3A_80 = arith.constant 50 : i32
    %scan3A_81 = arith.addi %scan3A_79, %scan3A_80 : i32
    %scan3A_82 = arith.constant 1 : i32
    %scan3A_83 = scf.for %scan3A_99 = %scan3A_79 to %scan3A_81 step %scan3A_82 iter_args(%scan3A_100 = %scan3A_78) -> (i32)  : i32 {
      %dma_start3A = arith.constant 2 : i32
      %dma_start3A_101 = arith.constant 256 : i32
      %dma_start3A_102 = arith.constant 0 : i32
      %dma_start3A_103 = tpu.memref_slice %arg6[%dma_start3A_101, %dma_start3A_102] : memref<512x32xf32, #tpu.memory_space<vmem>> -> memref<128x32xf32, #tpu.memory_space<vmem>>
      %dma_start3A_104 = arith.constant 0 : i32
      %dma_start3A_105 = tpu.memref_slice %arg5[%scan3A_99, %dma_start3A, %dma_start3A_104] : memref<50x4x128xi32, #tpu.memory_space<vmem>> -> memref<1x1x128xi32, #tpu.memory_space<vmem>>
      %dma_start3A_106 = tpu.memref_squeeze %dma_start3A_105 : memref<1x1x128xi32, #tpu.memory_space<vmem>> -> memref<128xi32, #tpu.memory_space<vmem>>
      %dma_start3A_107 = arith.constant 0 : i32
      %dma_start3A_108 = arith.constant 0 : i32
      %dma_start3A_109 = tpu.memref_slice %arg3[%dma_start3A_107, %dma_start3A_108] : memref<1000000x32xf32, #tpu.memory_space<hbm>> -> memref<1000000x32xf32, #tpu.memory_space<hbm>>
      tpu.enqueue_indirect_dma source(%dma_start3A_109 : memref<1000000x32xf32, #tpu.memory_space<hbm>>) target(%dma_start3A_103 : memref<128x32xf32, #tpu.memory_space<vmem>>) offsets(%dma_start3A_106 : memref<128xi32, #tpu.memory_space<vmem>>) semaphore(%arg7 : memref<!tpu.dma_semaphore, #tpu.memory_space<semaphore_mem>>) {add = true}
      %scan3A_110 = arith.constant 0 : i32
      scf.yield %scan3A_110 : i32
    }
    %scan3A_84 = arith.constant 50 : i32
    %scan3A_85 = arith.constant 0 : i32
    %scan3A_86 = arith.constant 0 : i32
    %scan3A_87 = arith.constant 50 : i32
    %scan3A_88 = arith.addi %scan3A_86, %scan3A_87 : i32
    %scan3A_89 = arith.constant 1 : i32
    %scan3A_90 = scf.for %scan3A_99 = %scan3A_86 to %scan3A_88 step %scan3A_89 iter_args(%scan3A_100 = %scan3A_85) -> (i32)  : i32 {
      %dma_start3A = arith.constant 3 : i32
      %dma_start3A_101 = arith.constant 384 : i32
      %dma_start3A_102 = arith.constant 0 : i32
      %dma_start3A_103 = tpu.memref_slice %arg6[%dma_start3A_101, %dma_start3A_102] : memref<512x32xf32, #tpu.memory_space<vmem>> -> memref<128x32xf32, #tpu.memory_space<vmem>>
      %dma_start3A_104 = arith.constant 0 : i32
      %dma_start3A_105 = tpu.memref_slice %arg5[%scan3A_99, %dma_start3A, %dma_start3A_104] : memref<50x4x128xi32, #tpu.memory_space<vmem>> -> memref<1x1x128xi32, #tpu.memory_space<vmem>>
      %dma_start3A_106 = tpu.memref_squeeze %dma_start3A_105 : memref<1x1x128xi32, #tpu.memory_space<vmem>> -> memref<128xi32, #tpu.memory_space<vmem>>
      %dma_start3A_107 = arith.constant 0 : i32
      %dma_start3A_108 = arith.constant 0 : i32
      %dma_start3A_109 = tpu.memref_slice %arg3[%dma_start3A_107, %dma_start3A_108] : memref<1000000x32xf32, #tpu.memory_space<hbm>> -> memref<1000000x32xf32, #tpu.memory_space<hbm>>
      tpu.enqueue_indirect_dma source(%dma_start3A_109 : memref<1000000x32xf32, #tpu.memory_space<hbm>>) target(%dma_start3A_103 : memref<128x32xf32, #tpu.memory_space<vmem>>) offsets(%dma_start3A_106 : memref<128xi32, #tpu.memory_space<vmem>>) semaphore(%arg7 : memref<!tpu.dma_semaphore, #tpu.memory_space<semaphore_mem>>) {add = true}
      %scan3A_110 = arith.constant 0 : i32
      scf.yield %scan3A_110 : i32
    }
    %scan3A_91 = arith.constant 50 : i32
    %scan3A_92 = arith.constant 0 : i32
    %scan3A_93 = arith.constant 0 : i32
    %scan3A_94 = arith.constant 200 : i32
    %scan3A_95 = arith.addi %scan3A_93, %scan3A_94 : i32
    %scan3A_96 = arith.constant 1 : i32
    %scan3A_97 = scf.for %scan3A_99 = %scan3A_93 to %scan3A_95 step %scan3A_96 iter_args(%scan3A_100 = %scan3A_92) -> (i32)  : i32 {
      %dma_wait3A = arith.constant 0 : i32
      %dma_wait3A_101 = arith.constant 0 : i32
      %dma_wait3A_102 = tpu.memref_slice %arg6[%dma_wait3A, %dma_wait3A_101] : memref<512x32xf32, #tpu.memory_space<vmem>> -> memref<128x32xf32, #tpu.memory_space<vmem>>
      %dma_wait3A_103 = arith.constant 0 : i32
      %dma_wait3A_104 = arith.constant 0 : i32
      %dma_wait3A_105 = tpu.memref_slice %arg3[%dma_wait3A_103, %dma_wait3A_104] : memref<1000000x32xf32, #tpu.memory_space<hbm>> -> memref<128x32xf32, #tpu.memory_space<hbm>>
      %dma_wait3A_106 = arith.constant 0 : i32
      %dma_wait3A_107 = arith.constant 0 : i32
      %dma_wait3A_108 = tpu.memref_slice %arg6[%dma_wait3A_106, %dma_wait3A_107] : memref<512x32xf32, #tpu.memory_space<vmem>> -> memref<128x32xf32, #tpu.memory_space<vmem>>
      %dma_wait3A_109 = arith.constant 0 : i32
      %dma_wait3A_110 = arith.constant 0 : i32
      %dma_wait3A_111 = tpu.memref_slice %arg3[%dma_wait3A_109, %dma_wait3A_110] : memref<1000000x32xf32, #tpu.memory_space<hbm>> -> memref<128x32xf32, #tpu.memory_space<hbm>>
      tpu.wait_dma2 semaphore(%arg7 : memref<!tpu.dma_semaphore, #tpu.memory_space<semaphore_mem>>) src(%dma_wait3A_111 : memref<128x32xf32, #tpu.memory_space<hbm>>) dst(%dma_wait3A_108 : memref<128x32xf32, #tpu.memory_space<vmem>>)
      %scan3A_112 = arith.constant 0 : i32
      scf.yield %scan3A_112 : i32
    }
    %scan3A_98 = arith.constant 200 : i32
    "tpu.region"() ({
      %run_scoped3A = tpu.sem_alloc : memref<!tpu.dma_semaphore, #tpu.memory_space<semaphore_mem>>
      %dma_start3A = arith.constant 0 : i32
      %dma_start3A_99 = tpu.memref_slice %arg4[%mul3A_2, %dma_start3A] : memref<16384x32xf32, #tpu.memory_space<hbm>> -> memref<512x32xf32, #tpu.memory_space<hbm>>
      %dma_start3A_100 = arith.constant 0 : i32
      %dma_start3A_101 = tpu.memref_slice %arg4[%mul3A_2, %dma_start3A_100] : memref<16384x32xf32, #tpu.memory_space<hbm>> -> memref<512x32xf32, #tpu.memory_space<hbm>>
      tpu.enqueue_dma source(%arg6 : memref<512x32xf32, #tpu.memory_space<vmem>>) target(%dma_start3A_101 : memref<512x32xf32, #tpu.memory_space<hbm>>) target_semaphore(%run_scoped3A : memref<!tpu.dma_semaphore, #tpu.memory_space<semaphore_mem>>)
      %dma_wait3A = arith.constant 0 : i32
      %dma_wait3A_102 = tpu.memref_slice %arg4[%mul3A_2, %dma_wait3A] : memref<16384x32xf32, #tpu.memory_space<hbm>> -> memref<512x32xf32, #tpu.memory_space<hbm>>
      %dma_wait3A_103 = arith.constant 0 : i32
      %dma_wait3A_104 = tpu.memref_slice %arg4[%mul3A_2, %dma_wait3A_103] : memref<16384x32xf32, #tpu.memory_space<hbm>> -> memref<512x32xf32, #tpu.memory_space<hbm>>
      tpu.wait_dma2 semaphore(%run_scoped3A : memref<!tpu.dma_semaphore, #tpu.memory_space<semaphore_mem>>) src(%arg6 : memref<512x32xf32, #tpu.memory_space<vmem>>) dst(%dma_wait3A_104 : memref<512x32xf32, #tpu.memory_space<hbm>>)
      tpu.yield
    }) : () -> ()
    return
  }
}

module attributes {stable_mosaic.version = 14 : i64} {
  func.func @body(%arg0: i32, %arg1: memref<2048x50xi32, #tpu.memory_space<vmem>>, %arg2: memref<50x1x16x128xi32, #tpu.memory_space<vmem>>) attributes {dimension_semantics = [#tpu.dimension_semantics<arbitrary>], iteration_bounds = array<i64: 8>, scalar_prefetch = 0 : i64, scratch_operands = 0 : i64, tpu.core_type = #tpu.core_type<tc>, window_params = [{transform_indices = @transform_0, window_bounds = array<i64: 2048, 50>}, {transform_indices = @transform_1, window_bounds = array<i64: 50, 1, 16, 128>}]} {
    %get3A = arith.constant 0 : index
    %get3A_0 = arith.constant 0 : index
    %get3A_1 = vector.load %arg1[%get3A, %get3A_0] : memref<2048x50xi32, #tpu.memory_space<vmem>>, vector<2048x50xi32>
    %transpose3A = tpu.transpose %get3A_1, [1, 0] : vector<2048x50xi32> -> vector<50x2048xi32>
    %reshape3A = vector.shape_cast %transpose3A : vector<50x2048xi32> to vector<50x1x16x128xi32>
    %swap3A = arith.constant 0 : index
    %swap3A_2 = arith.constant 0 : index
    %swap3A_3 = arith.constant 0 : index
    %swap3A_4 = arith.constant 0 : index
    %swap3A_5 = vector.load %arg2[%swap3A, %swap3A_2, %swap3A_3, %swap3A_4] : memref<50x1x16x128xi32, #tpu.memory_space<vmem>>, vector<50x1x16x128xi32>
    tpu.vector_store %arg2[%swap3A, %swap3A_2, %swap3A_3, %swap3A_4], %reshape3A {strides = array<i32>} : memref<50x1x16x128xi32, #tpu.memory_space<vmem>>, vector<50x1x16x128xi32>,
    return
  }
  func.func @transform_0(%arg0: i32) -> (i32, i32) {
    %c0_i32 = arith.constant 0 : i32
    %c0_i32_0 = arith.constant 0 : i32
    return %arg0, %c0_i32 : i32, i32
  }
  func.func @transform_1(%arg0: i32) -> (i32, i32, i32, i32) {
    %c0_i32 = arith.constant 0 : i32
    %c0_i32_0 = arith.constant 0 : i32
    %c0_i32_1 = arith.constant 0 : i32
    %c0_i32_2 = arith.constant 0 : i32
    return %c0_i32, %arg0, %c0_i32_0, %c0_i32_1 : i32, i32, i32, i32
  }
}

module attributes {stable_mosaic.version = 14 : i64} {
  func.func @body(%arg0: i32, %arg1: memref<4096x32xf32, #tpu.memory_space<vmem>>, %arg2: memref<32x16xf32, #tpu.memory_space<vmem>>, %arg3: memref<1x16xf32, #tpu.memory_space<vmem>>, %arg4: memref<4096x16xf32, #tpu.memory_space<vmem>>) attributes {dimension_semantics = [#tpu.dimension_semantics<arbitrary>], iteration_bounds = array<i64: 4>, scalar_prefetch = 0 : i64, scratch_operands = 0 : i64, tpu.core_type = #tpu.core_type<tc>, window_params = [{transform_indices = @transform_0, window_bounds = array<i64: 4096, 32>}, {pipeline_mode = #tpu.pipeline_mode<synchronous>, transform_indices = @transform_1, window_bounds = array<i64: 32, 16>}, {pipeline_mode = #tpu.pipeline_mode<synchronous>, transform_indices = @transform_2, window_bounds = array<i64: 1, 16>}, {transform_indices = @transform_3, window_bounds = array<i64: 4096, 16>}]} {
    %get3A = arith.constant 0 : index
    %get3A_0 = arith.constant 0 : index
    %get3A_1 = vector.load %arg1[%get3A, %get3A_0] : memref<4096x32xf32, #tpu.memory_space<vmem>>, vector<4096x32xf32>
    %get3A_2 = arith.constant 0 : index
    %get3A_3 = arith.constant 0 : index
    %get3A_4 = vector.load %arg2[%get3A_2, %get3A_3] : memref<32x16xf32, #tpu.memory_space<vmem>>, vector<32x16xf32>
    %dot_general3A = arith.constant dense<0.000000e+00> : vector<4096x16xf32>
    %dot_general3A_5 = tpu.matmul %get3A_1, %get3A_4, %dot_general3A {dimension_numbers = #tpu.dot_dimension_numbers<[1], [0], [0], [1], [0, 0, 1, 1], [], []>, transpose_lhs_hint = false} : vector<4096x32xf32>, vector<32x16xf32>, vector<4096x16xf32> -> vector<4096x16xf32>
    %get3A_6 = arith.constant 0 : index
    %get3A_7 = arith.constant 0 : index
    %get3A_8 = vector.load %arg3[%get3A_6, %get3A_7] : memref<1x16xf32, #tpu.memory_space<vmem>>, vector<1x16xf32>
    %add3A = vector.broadcast %get3A_8 : vector<1x16xf32> to vector<4096x16xf32>
    %add3A_9 = arith.addf %dot_general3A_5, %add3A : vector<4096x16xf32>
    %swap3A = arith.constant 0 : index
    %swap3A_10 = arith.constant 0 : index
    %swap3A_11 = vector.load %arg4[%swap3A, %swap3A_10] : memref<4096x16xf32, #tpu.memory_space<vmem>>, vector<4096x16xf32>
    tpu.vector_store %arg4[%swap3A, %swap3A_10], %add3A_9 {strides = array<i32>} : memref<4096x16xf32, #tpu.memory_space<vmem>>, vector<4096x16xf32>,
    return
  }
  func.func @transform_0(%arg0: i32) -> (i32, i32) {
    %c0_i32 = arith.constant 0 : i32
    %c0_i32_0 = arith.constant 0 : i32
    return %arg0, %c0_i32 : i32, i32
  }
  func.func @transform_1(%arg0: i32) -> (i32, i32) {
    %c0_i32 = arith.constant 0 : i32
    %c0_i32_0 = arith.constant 0 : i32
    %c0_i32_1 = arith.constant 0 : i32
    return %c0_i32, %c0_i32_0 : i32, i32
  }
  func.func @transform_2(%arg0: i32) -> (i32, i32) {
    %c0_i32 = arith.constant 0 : i32
    %c0_i32_0 = arith.constant 0 : i32
    %c0_i32_1 = arith.constant 0 : i32
    return %c0_i32, %c0_i32_0 : i32, i32
  }
  func.func @transform_3(%arg0: i32) -> (i32, i32) {
    %c0_i32 = arith.constant 0 : i32
    %c0_i32_0 = arith.constant 0 : i32
    return %arg0, %c0_i32 : i32, i32
  }
}

</mosaic_0001>

<sc_bundles>
// kernel: kernel.5.cloned.1.call-start
scs
__scs_entry_jumppad:
0x0: {  	(pc) =	sbr.rel $0x88, $3  }
0x1: {  	(tag) =	ssettag $0x0;
	lr =	simm.s32 $0x1  }
0x2: {  	[smem:$0x3F9D] =	sst lr;
	_ =	strace $0xD0000000  }
0x3: {  	_ = 	snop  }
0x4: {  	_ = 	snop  }
0x5: {  	_ = 	snop  }
0x6: {  	_ = 	snop  }
0x7: {  	_ = 	snop  }
__scs_overlays_trampoline_lowered:
0x8: {  	[smem:$0x3FAC] =	sst s0  }
0x9: {  	[smem:$0x3FAD] =	sst s1  }
0xa: {  	[smem:$0x3FAE] =	sst s2  }
0xb: {  	[smem:$0x3FAF] =	sst s3  }
0xc: {  	[smem:$0x3FB0] =	sst s4  }
0xd: {  	[smem:$0x3FB1] =	sst s5  }
0xe: {  	[smem:$0x3FB2] =	sst s6  }
0xf: {  	[smem:$0x3FB3] =	sst s7  }
0x10: {  	[smem:$0x3FB4] =	sst s8  }
0x11: {  	[smem:$0x3FB5] =	sst s9;
	s0 =	simm.s32 @!p0 $0x0  }
0x12: {  	s1 =	sld [smem:$0x3F9B];
	s0 =	simm.s32 @p0 $0x1  }
0x13: {  	[smem:$0x3FB6] =	sst s0;
	s0 =	simm.s32 @!p1 $0x0  }
0x14: {  	s2 =	sld [smem:$0x3F9A];
	s0 =	simm.s32 @p1 $0x1  }
0x15: {  	[smem:$0x3FB7] =	sst s0;
	s0 =	simm.s32 @!p2 $0x0  }
0x16: {  	s3 =	sld [smem:$0x3FDB];
	s0 =	simm.s32 @p2 $0x1  }
0x17: {  	s4 =	simm.s32 $0x1BF5;
	[smem:$0x3FB9] =	sst s0  }
0x18: {  	s0 =	sld [smem:$0x3F9C];
	_ =	swait.ge [sflag:s4], $0x0  }
0x19: {  	s7 =	sld [smem:$0x3F9D]  }
0x1a: {  	s8 =	sadd.s32 $0xFFFFE003, lr  }
0x1b: {  	s9 =	sadd.s32 $0xFFFFFEF7, lr;
	s5 =	simm.s32 $0xFFFFFFFF;
	p2 =	slt.u32 s8, $0xFFFFF086  }
0x1c: {  	p1 =	slt.u32 s9, $0xF7A;
	s5 =	simm.s32 @!p2 $0x0  }
0x1d: {  	s5 =	simm.s32 @p1 $0x1;
	p0 =	seq.s32 s7, s2  }
0x1e: {  	s7 =	smul.u32 @!p0 $0xF7A, s2;
	p2 =	seq.s32 @!p0 s5, $0x0  }
0x1f: {  	s9 =	smul.u32 $0xF7A, s1;
	s8 =	simm.s32 @!p0 $0x1BF5;
	p2 =	por !p2, p0  }
0x20: {  	[sflag:s8] =	ssyncset.s32 @!p0 $0xFFFFF086;
	s6 =	sadd.s32 @!p0 s3, s7;
	s7 =	simm.s32 @!p0 $0x108  }
0x21: {  	s3 =	sadd.s32 s3, s9;
	s6 =	sadd.s32 @!p0 $0x88, s6;
	s7 =	simm.s32 @p2 $0x1082  }
0x22: {  	[simem:s7], [sflag:s8] =	dma.local @!p0 [hbm:s6], $0xF7A  }
0x23: {  	s9 =	sor.u32 $0xD0000000, s2;
	s6 =	simm.s32 $0x108;
	_ =	swait.ge @!p0 [sflag:s8], $0x0  }
0x24: {  	s3 =	sadd.s32 $0x88, s3;
	s6 =	simm.s32 @!p1 $0x1082;
	[sflag:s4] =	ssyncset.s32 $0xFFFFF086  }
0x25: {  	[simem:s6], [sflag:s4] =	dma.local [hbm:s3], $0xF7A  }
0x26: {  	[smem:$0x3F9D] =	sst s1;
	(tag) =	ssettag s2;
	_ =	strace s9  }
0x27: {  	s1 =	sld [smem:$0x3FAD]  }
0x28: {  	s2 =	sld [smem:$0x3FAE]  }
0x29: {  	s4 =	sld [smem:$0x3FB0]  }
0x2a: {  	p0 =	seq.s32 s5, $0x0;
	s5 =	sld [smem:$0x3FB1]  }
0x2b: {  	s6 =	sld [smem:$0x3FB2]  }
0x2c: {  	s7 =	sld [smem:$0x3FB3]  }
0x2d: {  	s3 =	simm.s32 $0x108;
	s8 =	sld [smem:$0x3FB4]  }
0x2e: {  	s3 =	simm.s32 @!p0 $0x1082;
	s9 =	sld [smem:$0x3FB5]  }
0x2f: {  	lr =	sadd.s32 s0, s3;
	s0 =	sld [smem:$0x3FAC]  }
0x30: {  	s3 =	sld [smem:$0x3FAF]  }
0x31: {  	[smem:$0x3FB8] =	sst s10  }
0x32: {  	s10 =	sld [smem:$0x3FB6];
	_ =	sdelay $0x3  }
0x33: {  	p0 =	seq.s32 s10, $0x1;
	s10 =	sld [smem:$0x3FB8];
	_ =	sdelay $0x3  }
0x34: {  	[smem:$0x3FB8] =	sst s10  }
0x35: {  	s10 =	sld [smem:$0x3FB7];
	_ =	sdelay $0x3  }
0x36: {  	p1 =	seq.s32 s10, $0x1;
	s10 =	sld [smem:$0x3FB8];
	_ =	sdelay $0x3  }
0x37: {  	[smem:$0x3FB8] =	sst s10  }
0x38: {  	s10 =	sld [smem:$0x3FB9]  }
0x39: {  	_ = 	snop;
	(pc) =	sbr.ind lr, $3  }
0x3a: {  	_ = 	snop  }
0x3b: {  	_ = 	snop  }
0x3c: {  	p2 =	seq.s32 s10, $0x1;
	s10 =	sld [smem:$0x3FB8]  }
0x3d: {  	_ =	shalt  }
0x3e: {  	_ =	shalt  }
0x3f: {  	_ =	shalt  }
0x40: {  	_ =	shalt  }
0x41: {  	_ =	shalt  }
0x42: {  	_ =	shalt  }
0x43: {  	_ =	shalt  }
0x44: {  	_ =	shalt  }
0x45: {  	_ =	shalt  }
0x46: {  	_ =	shalt  }
0x47: {  	_ =	shalt  }
0x48: {  	_ =	shalt  }
0x49: {  	_ =	shalt  }
0x4a: {  	_ =	shalt  }
0x4b: {  	_ =	shalt  }
0x4c: {  	_ =	shalt  }
0x4d: {  	_ =	shalt  }
0x4e: {  	_ =	shalt  }
0x4f: {  	_ =	shalt  }
0x50: {  	_ =	shalt  }
0x51: {  	_ =	shalt  }
0x52: {  	_ =	shalt  }
0x53: {  	_ =	shalt  }
0x54: {  	_ =	shalt  }
0x55: {  	_ =	shalt  }
0x56: {  	_ =	shalt  }
0x57: {  	_ =	shalt  }
0x58: {  	_ =	shalt  }
0x59: {  	_ =	shalt  }
0x5a: {  	_ =	shalt  }
0x5b: {  	_ =	shalt  }
0x5c: {  	_ =	shalt  }
0x5d: {  	_ =	shalt  }
0x5e: {  	_ =	shalt  }
0x5f: {  	_ =	shalt  }
0x60: {  	_ =	shalt  }
0x61: {  	_ =	shalt  }
0x62: {  	_ =	shalt  }
0x63: {  	_ =	shalt  }
0x64: {  	_ =	shalt  }
0x65: {  	_ =	shalt  }
0x66: {  	_ =	shalt  }
0x67: {  	_ =	shalt  }
0x68: {  	_ =	shalt  }
0x69: {  	_ =	shalt  }
0x6a: {  	_ =	shalt  }
0x6b: {  	_ =	shalt  }
0x6c: {  	_ =	shalt  }
0x6d: {  	_ =	shalt  }
0x6e: {  	_ =	shalt  }
0x6f: {  	_ =	shalt  }
0x70: {  	_ =	shalt  }
0x71: {  	_ =	shalt  }
0x72: {  	_ =	shalt  }
0x73: {  	_ =	shalt  }
0x74: {  	_ =	shalt  }
0x75: {  	_ =	shalt  }
0x76: {  	_ =	shalt  }
0x77: {  	_ =	shalt  }
0x78: {  	_ =	shalt  }
0x79: {  	_ =	shalt  }
0x7a: {  	_ =	shalt  }
0x7b: {  	_ =	shalt  }
0x7c: {  	_ =	shalt  }
0x7d: {  	_ =	shalt  }
0x7e: {  	_ =	shalt  }
0x7f: {  	_ =	shalt  }
0x80: {  	_ =	shalt  }
0x81: {  	_ =	shalt  }
0x82: {  	_ =	shalt  }
0x83: {  	_ =	shalt  }
0x84: {  	_ =	shalt  }
0x85: {  	_ =	shalt  }
0x86: {  	_ =	shalt  }
0x87: {  	_ =	shalt  }
.Lfunc_end0:
.L_simem_size_0:
called_computation_lowered:
.L_overlay_start_0:
0x88: {  	s2 =	sld [smem:$0x3FD9]  }
0x89: {  	s3 =	sld [smem:$0x3FFE];
	_ =	sdelay $0x1  }
0x8a: {  	s1 =	srdreg.scid  }
0x8b: {  	s0 =	sand.u32 $0x1, s1  }
0x8c: {  	s16 =	sshll.u32 s0, $0xA;
	s2 =	sadd.s32 s3, s2  }
0x8d: {  	s2 =	sadd.s32 s2, s16  }
0x8e: {  	[smem:$0x3FC4] =	sst s2  }
0x8f: {  	_ = 	snop  }
0x90: {  	(tm) =	ssettm $0x1  }
0x91: {  	s17 =	sld [smem:$0x3FFB];
	_ =	sdelay $0x3  }
0x92: {  	_ =	strace s17  }
0x93: {  	s2 =	sld [smem:$0x3FFC];
	_ =	sdelay $0x3  }
0x94: {  	_ =	strace s2  }
0x95: {  	s2 =	sld [smem:$0x3FFD];
	_ =	sdelay $0x3  }
0x96: {  	_ =	strace s2  }
0x97: {  	_ =	strace $0x8FFFFFFF  }
0x98: {  	s18 =	sld [smem:$0x3FDB];
	_ =	sdelay $0x1  }
0x99: {  	s19 =	simm.s32 $_scs_section_size  }
0x9a: {  	s4 =	simm.s32 $_size__tile_overlayer_lowered;
	s5 =	simm.s32 $_tile_overlayer_lowered  }
0x9b: {  	s22 =	simm.s32 $0x1BFF;
	s21 =	sshll.u32 s5, $0x1;
	s2 =	sadd.s32 s19, s18  }
0x9c: {  	s6 =	simm.s32 $0x0;
	s20 =	sshll.u32 s4, $0x1;
	s4 =	sadd.s32 s21, s2  }
0x9d: {  	[timem:s6], [sflag:s22] =	dma.local [hbm:s4], s20  }
0x9e: {  	_ =	swait.ge [sflag:s22], s20  }
0x9f: {  	s3 =	ssub.s32 $0x0, s20;
	[sflag:s22] =	ssyncset.done $0x0  }
0xa0: {  	[sflag:s22] =	ssyncadd.s32 s3;
	_ =	sdelay $0x1  }
0xa1: {  	s23 =	simm.s32 $0x1B8B  }
0xa2: {  	_ =	swait.ge [sflag:s23], $0x1  }
0xa3: {  	[sflag:s23] =	ssyncset.done $0x0  }
0xa4: {  	s25 =	simm.s32 $0x1B8E;
	s24 =	sld [smem:$0x3FFE];
	[sflag:s23] =	ssyncadd.s32 $0xFFFFFFFF  }
0xa5: {  	s26 =	simm.s32 $execute0_lowered;
	[smem:$0x3FD2] =	sst s25  }
0xa6: {  	s4 =	sshll.u32 s26, $0x1;
	_ =	strace $0x80000046;
	[dreg:$0x1] =	wrdreg $0xFFFFFFFF  }
0xa7: {  	s28 =	simm.s32 $_size_execute0_lowered;
	s2 =	sadd.s32 s2, s4;
	[dreg:$0x0] =	wrdreg $0x0  }
0xa8: {  	s4 =	sshll.u32 s28, $0x1;
	[dreg:$0x2] =	wrdreg s2  }
0xa9: {  	[dreg:$0x3] =	wrdreg s4  }
0xaa: {  	[dreg:$0x4] =	wrdreg $0xC0  }
0xab: {  	_ =	task [dreg:s6], $0x5FFFF  }
0xac: {  	[dreg:$0x1] =	wrdreg $0xFFFFFFFF  }
0xad: {  	[dreg:$0x0] =	wrdreg $0x60  }
0xae: {  	[dreg:$0x2] =	wrdreg s24  }
0xaf: {  	[dreg:$0x3] =	wrdreg $0x9  }
0xb0: {  	_ =	task.clear_ibuf [dreg:s6], $0x4FFFF;
	_ =	strace $0x90000046  }
0xb1: {  	s29 =	simm.s32 $0x9;
	_ =	strace $0x80000048  }
0xb2: {  	_ =	swait.ge [sflag:s29], $0x1  }
0xb3: {  	[sflag:s29] =	ssyncadd.s32 $0xFFFFFFFF  }
0xb4: {  	_ =	strace $0x90000048  }
0xb5: {  	_ =	sfence  }
0xb6: {  	s30 =	sld [smem:$0x0];
	_ =	sdelay $0x2  }
0xb7: {  	s31 =	sshll.u32 s1, $0xD;
	s1 =	sshrl.u32 s1, $0x2  }
0xb8: {  	s3 =	sand.u32 $0x4000, s31;
	s1 =	sadd.s32 s1, s30  }
0xb9: {  	s0 =	sor.u32 s3, s0;
	s1 =	sshll.u32 s1, $0x11  }
0xba: {  	s0 =	sor.u32 s1, s0  }
0xbb: {  	s0 =	sadd.s32 $0x8F2B, s0  }
0xbc: {  	[sflag:s0] =	ssyncadd.remote.s32 $0x1  }
0xbd: {  	_ =	sfence.sel $0xFFFF  }
0xbe: {  	[dreg:$0x0] =	wrdreg $0xFFFFFFFF;
	(pc) =	sbr.abs _section_cstart, $3  }
0xbf: {  	[dreg:$0x1] =	wrdreg $0xFFFFFFFF  }
0xc0: {  	_ =	task.clear_ibuf [dreg:s6], $0x2FFFF;
	_ =	strace $0x9FFFFFFF  }
0xc1: {  	(tm) =	ssettm $0x7FFFFFFF  }
tec
execute0_lowered:
.L_overlay_start_1:
0x0: {  	(tag) =	ssettag $0x1  }
0x1: {  	s1 =	srdreg.scid;
	s0 =	stileid.u32  }
0x2: {  	s4 =	rddreg [dreg:$0x0];
	s2 =	simm.s32 $0x0;
	s9 =	simm.s32 $0x2  }
0x3: {  	s10 =	simm.s32 $0x80;
	s11 =	simm.s32 $0x6400;
	s12 =	simm.s32 $0x7400  }
0x4: {  	s13 =	simm.s32 $0x8400;
	s14 =	simm.s32 $0x9400;
	s15 =	simm.s32 $0x1  }
0x5: {  	s16 =	simm.s32 $0x0;
	s3 =	sand.u32 $0x1, s1;
	s1 =	rddreg [dreg:$0x1]  }
0x6: {  	s5 =	sshll.u32 s0, $0xA;
	[smem:$0x7FF] =	sst s2;
	s6 =	sshll.u32 s3, $0x9  }
0x7: {  	_ =	strace $0x80000047;
	s7 =	ssub.s32 $0x2, s3;
	s5 =	sor.u32 s6, s5  }
0x8: {  	s3 =	sadd.s32 $0xF43000, s4;
	s8 =	sshrl.u32 s7, $0x1;
	s6 =	sshrl.u32 s5, $0x3  }
0x9: {  	s5 =	sshll.u32 s5, $0x2;
	s7 =	ssub.s32 s7, s8;
	s6 =	sadd.s32 s6, s4  }
0xa: {  	s8 =	simm.s32 $0x4000;
	s5 =	sadd.s32 s5, s4;
	s4 =	sadd.s32 $0xC00, s6  }
0xb: {  	v0 =	vimm.f32 $0.0e+00;
	s5 =	sadd.s32 $0x19C00, s5;
	s6 =	smax.u32 s7, $0x1;
	s7 =	simm.s32 $0x200  }
.LBB2_1:
0xc: {  	[tilespmem:s2], [sflag:$0x2] =	stream.strided.gather [hbm4b:s4+s7], $0x6400, s8, s7, $0x38;
	[tilespmem:$0xA400] =	vst v63  }
0xd: {  	_ =	swait.ge [sflag:s9], $0x6400  }
0xe: {  	[sflag:s9] =	ssyncset.done $0x0  }
0xf: {  	s17 =	simm.s32 $0x0;
	[sflag:s9] =	ssyncadd.s32 $0xFFFF9C00  }
.LBB2_2:
0x10: {  	p0 =	sne.s32 s17, $0xFF80  }
.Ltmp0:
0x11: {  	_ = 	snop;
	(pc) =	sbr.rel @p0 .LBB2_2-.Ltmp0, $4  }
0x12: {  	_ = 	snop  }
0x13: {  	s18 =	sshra.s32 s17, $0x2  }
0x14: {  	[tilespmem:s18+$0x6400] =	vst v0  }
0x15: {  	s17 =	sadd.s32 $0x80, s17;
	[tilespmem:s18+$0x6410] =	vst v0  }
0x16: {  	s17 =	simm.s32 $0x0  }
.LBB2_4:
0x17: {  	p0 =	sne.s32 s17, $0x18800  }
.Ltmp1:
0x18: {  	_ = 	snop;
	(pc) =	sbr.rel @p0 .LBB2_4-.Ltmp1, $3  }
0x19: {  	_ =	sdelay $0x1  }
0x1a: {  	s18 =	sshra.s32 s17, $0x2;
	s17 =	sadd.s32 $0x800, s17  }
0x1b: {  	[tilespmem:s11], [sflag:$0x1] =	stream.indirect.gather.add.f32 [hbm:s3], $0x20, s18, s10, $0xb8;
	[tilespmem:$0xA400] =	vst v63  }
0x1c: {  	s17 =	simm.s32 $0x200  }
.LBB2_6:
0x1d: {  	p0 =	sne.s32 s17, $0x18A00  }
.Ltmp2:
0x1e: {  	_ = 	snop;
	(pc) =	sbr.rel @p0 .LBB2_6-.Ltmp2, $3  }
0x1f: {  	_ =	sdelay $0x1  }
0x20: {  	s18 =	sshra.s32 s17, $0x2;
	s17 =	sadd.s32 $0x800, s17  }
0x21: {  	[tilespmem:s12], [sflag:$0x1] =	stream.indirect.gather.add.f32 [hbm:s3], $0x20, s18, s10, $0xb8;
	[tilespmem:$0xA400] =	vst v63  }
0x22: {  	s17 =	simm.s32 $0x400  }
.LBB2_8:
0x23: {  	p0 =	sne.s32 s17, $0x18C00  }
.Ltmp3:
0x24: {  	_ = 	snop;
	(pc) =	sbr.rel @p0 .LBB2_8-.Ltmp3, $3  }
0x25: {  	_ =	sdelay $0x1  }
0x26: {  	s18 =	sshra.s32 s17, $0x2;
	s17 =	sadd.s32 $0x800, s17  }
0x27: {  	[tilespmem:s13], [sflag:$0x1] =	stream.indirect.gather.add.f32 [hbm:s3], $0x20, s18, s10, $0xb8;
	[tilespmem:$0xA400] =	vst v63  }
0x28: {  	s17 =	simm.s32 $0x600  }
.LBB2_10:
0x29: {  	p0 =	sne.s32 s17, $0x18E00  }
.Ltmp4:
0x2a: {  	_ = 	snop;
	(pc) =	sbr.rel @p0 .LBB2_10-.Ltmp4, $3  }
0x2b: {  	_ =	sdelay $0x1  }
0x2c: {  	s18 =	sshra.s32 s17, $0x2;
	s17 =	sadd.s32 $0x800, s17  }
0x2d: {  	[tilespmem:s14], [sflag:$0x1] =	stream.indirect.gather.add.f32 [hbm:s3], $0x20, s18, s10, $0xb8;
	[tilespmem:$0xA400] =	vst v63  }
0x2e: {  	_ =	swait.ge [sflag:s15], $0x1000  }
0x2f: {  	s17 =	simm.s32 $0xC7;
	[sflag:s15] =	ssyncset.done $0x0  }
.LBB2_12:
0x30: {  	p0 =	sne.s32 s17, $0x1;
	s17 =	sadd.s32 $0xFFFFFFFF, s17;
	[sflag:s15] =	ssyncadd.s32 $0xFFFFF000  }
.Ltmp5:
0x31: {  	(pc) =	sbr.rel @p0 .LBB2_12-.Ltmp5, $3  }
0x32: {  	_ =	sdelay $0x1  }
0x33: {  	_ =	swait.ge [sflag:s15], $0x1000  }
0x34: {  	[sflag:s15] =	ssyncset.done $0x0  }
0x35: {  	s16 =	sadd.s32 $0x1, s16  }
0x36: {  	p0 =	sne.s32 s16, s6  }
.Ltmp6:
0x37: {  	[sflag:s15] =	ssyncadd.s32 $0xFFFFF000;
	(pc) =	sbr.rel @p0 .LBB2_1-.Ltmp6, $4  }
0x38: {  	[hbm4b:s5+s2] =	stream.linear.scatter [tilespmem:s11], [sflag:$0x2], $0x4000, $0x38;
	[tilespmem:$0xA400] =	vst v63  }
0x39: {  	_ =	swait.ge [sflag:s9], $0x4000  }
0x3a: {  	[sflag:s9] =	ssyncset.done $0x0  }
0x3b: {  	[sflag:s9] =	ssyncadd.s32 $0xFFFFC000  }
0x3c: {  	_ =	sfence.sel $0x180000  }
0x3d: {  	[bflag:$0x0] =	sbarrier.arrive $0xFFFF  }
0x3e: {  	p0 =	sne.s32 s0, $0x0;
	_ =	strace $0x90000047  }
0x3f: {  	s0 =	sadd.s32 @!p0 $0x100000, s1;
	[bflag:$0x2] =	sbarrier.arrive $0xFFFF  }
0x40: {  	[sflag:s0] =	ssyncadd.tile.s32 @!p0 $0x1;
	_ =	shalt  }
.Lfunc_end2:
_tile_overlayer_lowered:
.L_overlay_start_2:
0x41: {  	(tag) =	ssettag $0x2  }
0x42: {  	s0 =	rddreg [dreg:$0x0];
	s2 =	stileid.u32  }
0x43: {  	s1 =	rddreg [dreg:$0x1];
	p0 =	sne.s32 s2, $0x0  }
0x44: {  	s3 =	rddreg [dreg:$0x2];
	[bflag:$0x3] =	sbarrier.arrive $0xFFFF;
	s2 =	simm.s32 @!p0 $0x1C02  }
0x45: {  	[timem:s3], [sflag:s2] =	dma.local @!p0 [hbm:s0], s1  }
0x46: {  	s0 =	simm.s32 @!p0 $0x2  }
0x47: {  	_ =	swait.ge @!p0 [sflag:s0], s1  }
0x48: {  	s1 =	ssub.s32 @!p0 $0x0, s1;
	[sflag:s0] =	ssyncset.done @!p0 $0x0  }
0x49: {  	[sflag:s0] =	ssyncadd.s32 @!p0 s1  }
0x4a: {  	[bflag:$0x3] =	sbarrier.arrive $0xFFFF  }
0x4b: {  	_ =	shalt  }

</sc_bundles>
